<compile_context>
chip_gen: v7x
topology: tpu7x:2x2x1
jax: 0.10.2.dev20260603
libtpu: 0.0.44.dev20260713+nightly
codegen_flags: <defaults>
</compile_context>

<pallas_src>
import functools

import jax
import jax.numpy as jnp
from jax import lax
from jax.experimental import pallas as pl
from jax.experimental.pallas import tpu as pltpu
from jax.experimental.pallas import tpu_sc as plsc

_NC = 2
_NS = 16
_NW = _NC * _NS


def _positional_lookup(table, idx, *, chunk):
    n_rows, d = table.shape
    b = idx.shape[0]
    bpw = b // _NW
    n_chunks = bpw // chunk
    mesh = plsc.VectorSubcoreMesh(core_axis_name="c", subcore_axis_name="s")

    @functools.partial(
        pl.kernel,
        mesh=mesh,
        out_type=jax.ShapeDtypeStruct((b, d), jnp.float32),
        scratch_types=[
            pltpu.VMEM((bpw,), jnp.int32),
            pltpu.VMEM((2, chunk, d), jnp.float32),
            pltpu.SemaphoreType.DMA,
            pltpu.SemaphoreType.DMA,
            pltpu.SemaphoreType.DMA,
            pltpu.SemaphoreType.DMA,
        ],
    )
    def k(idx_hbm, tab_hbm, out_hbm, idx_v, rows_v, g0, g1, w0, w1):
        gs = (g0, g1)
        ws = (w0, w1)
        wid = lax.axis_index("s") * _NC + lax.axis_index("c")
        base = wid * bpw
        pltpu.sync_copy(idx_hbm.at[pl.ds(base, bpw)], idx_v)

        def gather(c, j):
            return pltpu.make_async_copy(
                tab_hbm.at[idx_v.at[pl.ds(c * chunk, chunk)]],
                rows_v.at[j],
                gs[j],
            )

        def write(c, j):
            return pltpu.make_async_copy(
                rows_v.at[j],
                out_hbm.at[pl.ds(base + c * chunk, chunk)],
                ws[j],
            )

        gather(0, 0).start()

        def body(i, carry):
            for j in range(2):
                c = 2 * i + j
                gather(c, j).wait()
                write(c, j).start()
                cn = c + 1

                @pl.when(cn < n_chunks)
                def _():
                    @pl.when(cn >= 2)
                    def _():
                        write(cn - 2, 1 - j).wait()

                    gather(cn, 1 - j).start()

            return carry

        lax.fori_loop(0, n_chunks // 2, body, 0)
        write(n_chunks - 2, 0).wait()
        write(n_chunks - 1, 1).wait()

    return k(idx, table)


def kernel(x, weights):
    n_rows = weights.shape[0]
    d = weights.shape[1] * weights.shape[2]
    table = weights.reshape(n_rows, d)
    out = _positional_lookup(table, x, chunk=8)
    return out

# --- scband reference (transcript-rebuilt; emitter-appended) ---
"""Pipeline reference for scband-positional-weight-10290741641939 (READ-ONLY COPY).

The authoritative reference and input builder live on the scoring server;
editing this copy changes nothing except your own understanding.
"""

import jax, jax.numpy as jnp
import numpy as np
import math

MAX_POS = 200
DIM_IN = 64
DIM_OUT = 64
BATCH = 16384

def setup_inputs(seed: int = 0) -> dict:
    key = jax.random.key(seed)
    k1, k2 = jax.random.split(key)
    x = jax.random.randint(k1, (BATCH,), 0, MAX_POS + 1, dtype=jnp.int64 if jax.config.jax_enable_x64 else jnp.int32).astype(jnp.int32)
    stdv = 1.0 / math.sqrt(DIM_OUT)
    weights = jax.random.uniform(k2, (MAX_POS + 1, DIM_IN, DIM_OUT), dtype=jnp.float32, minval=-stdv, maxval=stdv)
    return {"x": x, "weights": weights}

def reference(x, weights):
    # weights[x] -> gather rows of the positional weight table, then flatten per example
    gathered = jnp.take(weights, x, axis=0)  # [B, dim_in, dim_out]
    return gathered.reshape(x.shape[0], -1)  # [B, dim_in*dim_out]

if __name__ == "__main__":
    import jax
    _d = setup_inputs()
    print(jax.jit(kernel)(*tuple(_d.values())))

</pallas_src>

<mosaic_0001>
#map = affine_map<(d0, d1) -> (0)>
#map1 = affine_map<(d0, d1) -> (0, 0)>
module attributes {stable_mosaic.version = 14 : i64} {
  func.func @k(%arg0: i32, %arg1: i32, %arg2: memref<16384xi32, #tpu.memory_space<hbm>>, %arg3: memref<201x4096xf32, #tpu.memory_space<hbm>>, %arg4: memref<16384x4096xf32, #tpu.memory_space<hbm>>, %arg5: memref<512xi32, #tpu.memory_space<vmem>>, %arg6: memref<2x8x4096xf32, #tpu.memory_space<vmem>>, %arg7: memref<!tpu.dma_semaphore, #tpu.memory_space<semaphore_mem>>, %arg8: memref<!tpu.dma_semaphore, #tpu.memory_space<semaphore_mem>>, %arg9: memref<!tpu.dma_semaphore, #tpu.memory_space<semaphore_mem>>, %arg10: memref<!tpu.dma_semaphore, #tpu.memory_space<semaphore_mem>>) attributes {dimension_semantics = [#tpu.dimension_semantics<core_parallel>, #tpu.dimension_semantics<subcore_parallel>], iteration_bounds = array<i64: 2, 16>, scalar_prefetch = 0 : i64, scratch_operands = 6 : i64, tpu.core_type = #tpu.core_type<sc_vector_subcore>, window_params = [{transform_indices = #map}, {transform_indices = #map1}, {transform_indices = #map1}]} {
    %mul3A = arith.constant 2 : i32
    %mul3A_0 = arith.muli %arg1, %mul3A : i32
    %add3A = arith.addi %mul3A_0, %arg0 : i32
    %mul3A_1 = arith.constant 512 : i32
    %mul3A_2 = arith.muli %add3A, %mul3A_1 : i32
    "tpu.region"() ({
      %run_scoped3A = tpu.sem_alloc : memref<!tpu.dma_semaphore, #tpu.memory_space<semaphore_mem>>
      %dma_start3A_46 = tpu.memref_slice %arg2[%mul3A_2] : memref<16384xi32, #tpu.memory_space<hbm>> -> memref<512xi32, #tpu.memory_space<hbm>>
      %dma_start3A_47 = tpu.memref_slice %arg2[%mul3A_2] : memref<16384xi32, #tpu.memory_space<hbm>> -> memref<512xi32, #tpu.memory_space<hbm>>
      tpu.enqueue_dma source(%dma_start3A_47 : memref<512xi32, #tpu.memory_space<hbm>>) target(%arg5 : memref<512xi32, #tpu.memory_space<vmem>>) target_semaphore(%run_scoped3A : memref<!tpu.dma_semaphore, #tpu.memory_space<semaphore_mem>>)
      %dma_wait3A_48 = tpu.memref_slice %arg2[%mul3A_2] : memref<16384xi32, #tpu.memory_space<hbm>> -> memref<512xi32, #tpu.memory_space<hbm>>
      %dma_wait3A_49 = tpu.memref_slice %arg2[%mul3A_2] : memref<16384xi32, #tpu.memory_space<hbm>> -> memref<512xi32, #tpu.memory_space<hbm>>
      tpu.wait_dma2 semaphore(%run_scoped3A : memref<!tpu.dma_semaphore, #tpu.memory_space<semaphore_mem>>) src(%dma_wait3A_49 : memref<512xi32, #tpu.memory_space<hbm>>) dst(%arg5 : memref<512xi32, #tpu.memory_space<vmem>>)
      tpu.yield
    }) : () -> ()
    %dma_start3A = arith.constant 0 : i32
    %dma_start3A_3 = arith.constant 0 : i32
    %dma_start3A_4 = arith.constant 0 : i32
    %dma_start3A_5 = tpu.memref_slice %arg6[%dma_start3A, %dma_start3A_3, %dma_start3A_4] : memref<2x8x4096xf32, #tpu.memory_space<vmem>> -> memref<1x8x4096xf32, #tpu.memory_space<vmem>>
    %dma_start3A_6 = tpu.memref_squeeze %dma_start3A_5 : memref<1x8x4096xf32, #tpu.memory_space<vmem>> -> memref<8x4096xf32, #tpu.memory_space<vmem>>
    %dma_start3A_7 = arith.constant 0 : i32
    %dma_start3A_8 = tpu.memref_slice %arg5[%dma_start3A_7] : memref<512xi32, #tpu.memory_space<vmem>> -> memref<8xi32, #tpu.memory_space<vmem>>
    %dma_start3A_9 = arith.constant 0 : i32
    %dma_start3A_10 = arith.constant 0 : i32
    %dma_start3A_11 = tpu.memref_slice %arg3[%dma_start3A_9, %dma_start3A_10] : memref<201x4096xf32, #tpu.memory_space<hbm>> -> memref<201x4096xf32, #tpu.memory_space<hbm>>
    tpu.enqueue_indirect_dma source(%dma_start3A_11 : memref<201x4096xf32, #tpu.memory_space<hbm>>) target(%dma_start3A_6 : memref<8x4096xf32, #tpu.memory_space<vmem>>) offsets(%dma_start3A_8 : memref<8xi32, #tpu.memory_space<vmem>>) semaphore(%arg7 : memref<!tpu.dma_semaphore, #tpu.memory_space<semaphore_mem>>)
    %scan3A = arith.constant 0 : i32
    %scan3A_12 = arith.constant 0 : i32
    %scan3A_13 = arith.constant 32 : i32
    %scan3A_14 = arith.addi %scan3A_12, %scan3A_13 : i32
    %scan3A_15 = arith.constant 1 : i32
    scf.for %scan3A_46 = %scan3A_12 to %scan3A_14 step %scan3A_15  : i32 {
      %mul3A_47 = arith.constant 2 : i32
      %mul3A_48 = arith.muli %mul3A_47, %scan3A_46 : i32
      %add3A_49 = arith.constant 0 : i32
      %add3A_50 = arith.addi %mul3A_48, %add3A_49 : i32
      %mul3A_51 = arith.constant 8 : i32
      %mul3A_52 = arith.muli %add3A_50, %mul3A_51 : i32
      %dma_wait3A_53 = arith.constant 0 : i32
      %dma_wait3A_54 = arith.constant 0 : i32
      %dma_wait3A_55 = arith.constant 0 : i32
      %dma_wait3A_56 = tpu.memref_slice %arg6[%dma_wait3A_53, %dma_wait3A_54, %dma_wait3A_55] : memref<2x8x4096xf32, #tpu.memory_space<vmem>> -> memref<1x8x4096xf32, #tpu.memory_space<vmem>>
      %dma_wait3A_57 = tpu.memref_squeeze %dma_wait3A_56 : memref<1x8x4096xf32, #tpu.memory_space<vmem>> -> memref<8x4096xf32, #tpu.memory_space<vmem>>
      %dma_wait3A_58 = tpu.memref_slice %arg5[%mul3A_52] : memref<512xi32, #tpu.memory_space<vmem>> -> memref<8xi32, #tpu.memory_space<vmem>>
      %dma_wait3A_59 = arith.constant 0 : i32
      %dma_wait3A_60 = arith.constant 0 : i32
      %dma_wait3A_61 = tpu.memref_slice %arg3[%dma_wait3A_59, %dma_wait3A_60] : memref<201x4096xf32, #tpu.memory_space<hbm>> -> memref<201x4096xf32, #tpu.memory_space<hbm>>
      tpu.wait_indirect_dma semaphore(%arg7 : memref<!tpu.dma_semaphore, #tpu.memory_space<semaphore_mem>>) src(%dma_wait3A_61 : memref<201x4096xf32, #tpu.memory_space<hbm>>) dst(%dma_wait3A_57 : memref<8x4096xf32, #tpu.memory_space<vmem>>)
      %mul3A_62 = arith.constant 8 : i32
      %mul3A_63 = arith.muli %add3A_50, %mul3A_62 : i32
      %add3A_64 = arith.addi %mul3A_2, %mul3A_63 : i32
      %dma_start3A_65 = arith.constant 0 : i32
      %dma_start3A_66 = arith.constant 0 : i32
      %dma_start3A_67 = arith.constant 0 : i32
      %dma_start3A_68 = tpu.memref_slice %arg6[%dma_start3A_65, %dma_start3A_66, %dma_start3A_67] : memref<2x8x4096xf32, #tpu.memory_space<vmem>> -> memref<1x8x4096xf32, #tpu.memory_space<vmem>>
      %dma_start3A_69 = tpu.memref_squeeze %dma_start3A_68 : memref<1x8x4096xf32, #tpu.memory_space<vmem>> -> memref<8x4096xf32, #tpu.memory_space<vmem>>
      %dma_start3A_70 = arith.constant 0 : i32
      %dma_start3A_71 = tpu.memref_slice %arg4[%add3A_64, %dma_start3A_70] : memref<16384x4096xf32, #tpu.memory_space<hbm>> -> memref<8x4096xf32, #tpu.memory_space<hbm>>
      %dma_start3A_72 = arith.constant 0 : i32
      %dma_start3A_73 = tpu.memref_slice %arg4[%add3A_64, %dma_start3A_72] : memref<16384x4096xf32, #tpu.memory_space<hbm>> -> memref<8x4096xf32, #tpu.memory_space<hbm>>
      %dma_start3A_74 = arith.constant 0 : i32
      %dma_start3A_75 = arith.constant 0 : i32
      %dma_start3A_76 = tpu.memref_slice %arg6[%dma_start3A_65, %dma_start3A_74, %dma_start3A_75] : memref<2x8x4096xf32, #tpu.memory_space<vmem>> -> memref<1x8x4096xf32, #tpu.memory_space<vmem>>
      %dma_start3A_77 = tpu.memref_squeeze %dma_start3A_76 : memref<1x8x4096xf32, #tpu.memory_space<vmem>> -> memref<8x4096xf32, #tpu.memory_space<vmem>>
      tpu.enqueue_dma source(%dma_start3A_77 : memref<8x4096xf32, #tpu.memory_space<vmem>>) target(%dma_start3A_73 : memref<8x4096xf32, #tpu.memory_space<hbm>>) target_semaphore(%arg9 : memref<!tpu.dma_semaphore, #tpu.memory_space<semaphore_mem>>)
      %add3A_78 = arith.constant 1 : i32
      %add3A_79 = arith.addi %add3A_50, %add3A_78 : i32
      %lt3A = arith.constant 64 : i32
      %lt3A_80 = arith.cmpi slt, %add3A_79, %lt3A : i32
      %convert_element_type3A = arith.extui %lt3A_80 : i1 to i32
      %cond3A = arith.constant 0 : i32
      %cond3A_81 = arith.cmpi ne, %convert_element_type3A, %cond3A : i32
      scf.if %cond3A_81 {
        %ge3A = arith.constant 2 : i32
        %ge3A_120 = arith.cmpi sge, %add3A_79, %ge3A : i32
        %convert_element_type3A_121 = arith.extui %ge3A_120 : i1 to i32
        %cond3A_122 = arith.constant 0 : i32
        %cond3A_123 = arith.cmpi ne, %convert_element_type3A_121, %cond3A_122 : i32
        scf.if %cond3A_123 {
          %sub3A = arith.constant 2 : i32
          %sub3A_135 = arith.subi %add3A_79, %sub3A : i32
          %mul3A_136 = arith.constant 8 : i32
          %mul3A_137 = arith.muli %sub3A_135, %mul3A_136 : i32
          %add3A_138 = arith.addi %mul3A_2, %mul3A_137 : i32
          %dma_wait3A_139 = arith.constant 1 : i32
          %dma_wait3A_140 = arith.constant 0 : i32
          %dma_wait3A_141 = arith.constant 0 : i32
          %dma_wait3A_142 = tpu.memref_slice %arg6[%dma_wait3A_139, %dma_wait3A_140, %dma_wait3A_141] : memref<2x8x4096xf32, #tpu.memory_space<vmem>> -> memref<1x8x4096xf32, #tpu.memory_space<vmem>>
          %dma_wait3A_143 = tpu.memref_squeeze %dma_wait3A_142 : memref<1x8x4096xf32, #tpu.memory_space<vmem>> -> memref<8x4096xf32, #tpu.memory_space<vmem>>
          %dma_wait3A_144 = arith.constant 0 : i32
          %dma_wait3A_145 = tpu.memref_slice %arg4[%add3A_138, %dma_wait3A_144] : memref<16384x4096xf32, #tpu.memory_space<hbm>> -> memref<8x4096xf32, #tpu.memory_space<hbm>>
          %dma_wait3A_146 = arith.constant 0 : i32
          %dma_wait3A_147 = tpu.memref_slice %arg4[%add3A_138, %dma_wait3A_146] : memref<16384x4096xf32, #tpu.memory_space<hbm>> -> memref<8x4096xf32, #tpu.memory_space<hbm>>
          %dma_wait3A_148 = arith.constant 0 : i32
          %dma_wait3A_149 = arith.constant 0 : i32
          %dma_wait3A_150 = tpu.memref_slice %arg6[%dma_wait3A_139, %dma_wait3A_148, %dma_wait3A_149] : memref<2x8x4096xf32, #tpu.memory_space<vmem>> -> memref<1x8x4096xf32, #tpu.memory_space<vmem>>
          %dma_wait3A_151 = tpu.memref_squeeze %dma_wait3A_150 : memref<1x8x4096xf32, #tpu.memory_space<vmem>> -> memref<8x4096xf32, #tpu.memory_space<vmem>>
          tpu.wait_dma2 semaphore(%arg10 : memref<!tpu.dma_semaphore, #tpu.memory_space<semaphore_mem>>) src(%dma_wait3A_151 : memref<8x4096xf32, #tpu.memory_space<vmem>>) dst(%dma_wait3A_147 : memref<8x4096xf32, #tpu.memory_space<hbm>>)
        } else {
        }
        %mul3A_124 = arith.constant 8 : i32
        %mul3A_125 = arith.muli %add3A_79, %mul3A_124 : i32
        %dma_start3A_126 = arith.constant 1 : i32
        %dma_start3A_127 = arith.constant 0 : i32
        %dma_start3A_128 = arith.constant 0 : i32
        %dma_start3A_129 = tpu.memref_slice %arg6[%dma_start3A_126, %dma_start3A_127, %dma_start3A_128] : memref<2x8x4096xf32, #tpu.memory_space<vmem>> -> memref<1x8x4096xf32, #tpu.memory_space<vmem>>
        %dma_start3A_130 = tpu.memref_squeeze %dma_start3A_129 : memref<1x8x4096xf32, #tpu.memory_space<vmem>> -> memref<8x4096xf32, #tpu.memory_space<vmem>>
        %dma_start3A_131 = tpu.memref_slice %arg5[%mul3A_125] : memref<512xi32, #tpu.memory_space<vmem>> -> memref<8xi32, #tpu.memory_space<vmem>>
        %dma_start3A_132 = arith.constant 0 : i32
        %dma_start3A_133 = arith.constant 0 : i32
        %dma_start3A_134 = tpu.memref_slice %arg3[%dma_start3A_132, %dma_start3A_133] : memref<201x4096xf32, #tpu.memory_space<hbm>> -> memref<201x4096xf32, #tpu.memory_space<hbm>>
        tpu.enqueue_indirect_dma source(%dma_start3A_134 : memref<201x4096xf32, #tpu.memory_space<hbm>>) target(%dma_start3A_130 : memref<8x4096xf32, #tpu.memory_space<vmem>>) offsets(%dma_start3A_131 : memref<8xi32, #tpu.memory_space<vmem>>) semaphore(%arg8 : memref<!tpu.dma_semaphore, #tpu.memory_space<semaphore_mem>>)
      } else {
      }
      %mul3A_82 = arith.constant 2 : i32
      %mul3A_83 = arith.muli %mul3A_82, %scan3A_46 : i32
      %add3A_84 = arith.constant 1 : i32
      %add3A_85 = arith.addi %mul3A_83, %add3A_84 : i32
      %mul3A_86 = arith.constant 8 : i32
      %mul3A_87 = arith.muli %add3A_85, %mul3A_86 : i32
      %dma_wait3A_88 = arith.constant 1 : i32
      %dma_wait3A_89 = arith.constant 0 : i32
      %dma_wait3A_90 = arith.constant 0 : i32
      %dma_wait3A_91 = tpu.memref_slice %arg6[%dma_wait3A_88, %dma_wait3A_89, %dma_wait3A_90] : memref<2x8x4096xf32, #tpu.memory_space<vmem>> -> memref<1x8x4096xf32, #tpu.memory_space<vmem>>
      %dma_wait3A_92 = tpu.memref_squeeze %dma_wait3A_91 : memref<1x8x4096xf32, #tpu.memory_space<vmem>> -> memref<8x4096xf32, #tpu.memory_space<vmem>>
      %dma_wait3A_93 = tpu.memref_slice %arg5[%mul3A_87] : memref<512xi32, #tpu.memory_space<vmem>> -> memref<8xi32, #tpu.memory_space<vmem>>
      %dma_wait3A_94 = arith.constant 0 : i32
      %dma_wait3A_95 = arith.constant 0 : i32
      %dma_wait3A_96 = tpu.memref_slice %arg3[%dma_wait3A_94, %dma_wait3A_95] : memref<201x4096xf32, #tpu.memory_space<hbm>> -> memref<201x4096xf32, #tpu.memory_space<hbm>>
      tpu.wait_indirect_dma semaphore(%arg8 : memref<!tpu.dma_semaphore, #tpu.memory_space<semaphore_mem>>) src(%dma_wait3A_96 : memref<201x4096xf32, #tpu.memory_space<hbm>>) dst(%dma_wait3A_92 : memref<8x4096xf32, #tpu.memory_space<vmem>>)
      %mul3A_97 = arith.constant 8 : i32
      %mul3A_98 = arith.muli %add3A_85, %mul3A_97 : i32
      %add3A_99 = arith.addi %mul3A_2, %mul3A_98 : i32
      %dma_start3A_100 = arith.constant 1 : i32
      %dma_start3A_101 = arith.constant 0 : i32
      %dma_start3A_102 = arith.constant 0 : i32
      %dma_start3A_103 = tpu.memref_slice %arg6[%dma_start3A_100, %dma_start3A_101, %dma_start3A_102] : memref<2x8x4096xf32, #tpu.memory_space<vmem>> -> memref<1x8x4096xf32, #tpu.memory_space<vmem>>
      %dma_start3A_104 = tpu.memref_squeeze %dma_start3A_103 : memref<1x8x4096xf32, #tpu.memory_space<vmem>> -> memref<8x4096xf32, #tpu.memory_space<vmem>>
      %dma_start3A_105 = arith.constant 0 : i32
      %dma_start3A_106 = tpu.memref_slice %arg4[%add3A_99, %dma_start3A_105] : memref<16384x4096xf32, #tpu.memory_space<hbm>> -> memref<8x4096xf32, #tpu.memory_space<hbm>>
      %dma_start3A_107 = arith.constant 0 : i32
      %dma_start3A_108 = tpu.memref_slice %arg4[%add3A_99, %dma_start3A_107] : memref<16384x4096xf32, #tpu.memory_space<hbm>> -> memref<8x4096xf32, #tpu.memory_space<hbm>>
      %dma_start3A_109 = arith.constant 0 : i32
      %dma_start3A_110 = arith.constant 0 : i32
      %dma_start3A_111 = tpu.memref_slice %arg6[%dma_start3A_100, %dma_start3A_109, %dma_start3A_110] : memref<2x8x4096xf32, #tpu.memory_space<vmem>> -> memref<1x8x4096xf32, #tpu.memory_space<vmem>>
      %dma_start3A_112 = tpu.memref_squeeze %dma_start3A_111 : memref<1x8x4096xf32, #tpu.memory_space<vmem>> -> memref<8x4096xf32, #tpu.memory_space<vmem>>
      tpu.enqueue_dma source(%dma_start3A_112 : memref<8x4096xf32, #tpu.memory_space<vmem>>) target(%dma_start3A_108 : memref<8x4096xf32, #tpu.memory_space<hbm>>) target_semaphore(%arg10 : memref<!tpu.dma_semaphore, #tpu.memory_space<semaphore_mem>>)
      %add3A_113 = arith.constant 1 : i32
      %add3A_114 = arith.addi %add3A_85, %add3A_113 : i32
      %lt3A_115 = arith.constant 64 : i32
      %lt3A_116 = arith.cmpi slt, %add3A_114, %lt3A_115 : i32
      %convert_element_type3A_117 = arith.extui %lt3A_116 : i1 to i32
      %cond3A_118 = arith.constant 0 : i32
      %cond3A_119 = arith.cmpi ne, %convert_element_type3A_117, %cond3A_118 : i32
      scf.if %cond3A_119 {
        %ge3A = arith.constant 2 : i32
        %ge3A_120 = arith.cmpi sge, %add3A_114, %ge3A : i32
        %convert_element_type3A_121 = arith.extui %ge3A_120 : i1 to i32
        %cond3A_122 = arith.constant 0 : i32
        %cond3A_123 = arith.cmpi ne, %convert_element_type3A_121, %cond3A_122 : i32
        scf.if %cond3A_123 {
          %sub3A = arith.constant 2 : i32
          %sub3A_135 = arith.subi %add3A_114, %sub3A : i32
          %mul3A_136 = arith.constant 8 : i32
          %mul3A_137 = arith.muli %sub3A_135, %mul3A_136 : i32
          %add3A_138 = arith.addi %mul3A_2, %mul3A_137 : i32
          %dma_wait3A_139 = arith.constant 0 : i32
          %dma_wait3A_140 = arith.constant 0 : i32
          %dma_wait3A_141 = arith.constant 0 : i32
          %dma_wait3A_142 = tpu.memref_slice %arg6[%dma_wait3A_139, %dma_wait3A_140, %dma_wait3A_141] : memref<2x8x4096xf32, #tpu.memory_space<vmem>> -> memref<1x8x4096xf32, #tpu.memory_space<vmem>>
          %dma_wait3A_143 = tpu.memref_squeeze %dma_wait3A_142 : memref<1x8x4096xf32, #tpu.memory_space<vmem>> -> memref<8x4096xf32, #tpu.memory_space<vmem>>
          %dma_wait3A_144 = arith.constant 0 : i32
          %dma_wait3A_145 = tpu.memref_slice %arg4[%add3A_138, %dma_wait3A_144] : memref<16384x4096xf32, #tpu.memory_space<hbm>> -> memref<8x4096xf32, #tpu.memory_space<hbm>>
          %dma_wait3A_146 = arith.constant 0 : i32
          %dma_wait3A_147 = tpu.memref_slice %arg4[%add3A_138, %dma_wait3A_146] : memref<16384x4096xf32, #tpu.memory_space<hbm>> -> memref<8x4096xf32, #tpu.memory_space<hbm>>
          %dma_wait3A_148 = arith.constant 0 : i32
          %dma_wait3A_149 = arith.constant 0 : i32
          %dma_wait3A_150 = tpu.memref_slice %arg6[%dma_wait3A_139, %dma_wait3A_148, %dma_wait3A_149] : memref<2x8x4096xf32, #tpu.memory_space<vmem>> -> memref<1x8x4096xf32, #tpu.memory_space<vmem>>
          %dma_wait3A_151 = tpu.memref_squeeze %dma_wait3A_150 : memref<1x8x4096xf32, #tpu.memory_space<vmem>> -> memref<8x4096xf32, #tpu.memory_space<vmem>>
          tpu.wait_dma2 semaphore(%arg9 : memref<!tpu.dma_semaphore, #tpu.memory_space<semaphore_mem>>) src(%dma_wait3A_151 : memref<8x4096xf32, #tpu.memory_space<vmem>>) dst(%dma_wait3A_147 : memref<8x4096xf32, #tpu.memory_space<hbm>>)
        } else {
        }
        %mul3A_124 = arith.constant 8 : i32
        %mul3A_125 = arith.muli %add3A_114, %mul3A_124 : i32
        %dma_start3A_126 = arith.constant 0 : i32
        %dma_start3A_127 = arith.constant 0 : i32
        %dma_start3A_128 = arith.constant 0 : i32
        %dma_start3A_129 = tpu.memref_slice %arg6[%dma_start3A_126, %dma_start3A_127, %dma_start3A_128] : memref<2x8x4096xf32, #tpu.memory_space<vmem>> -> memref<1x8x4096xf32, #tpu.memory_space<vmem>>
        %dma_start3A_130 = tpu.memref_squeeze %dma_start3A_129 : memref<1x8x4096xf32, #tpu.memory_space<vmem>> -> memref<8x4096xf32, #tpu.memory_space<vmem>>
        %dma_start3A_131 = tpu.memref_slice %arg5[%mul3A_125] : memref<512xi32, #tpu.memory_space<vmem>> -> memref<8xi32, #tpu.memory_space<vmem>>
        %dma_start3A_132 = arith.constant 0 : i32
        %dma_start3A_133 = arith.constant 0 : i32
        %dma_start3A_134 = tpu.memref_slice %arg3[%dma_start3A_132, %dma_start3A_133] : memref<201x4096xf32, #tpu.memory_space<hbm>> -> memref<201x4096xf32, #tpu.memory_space<hbm>>
        tpu.enqueue_indirect_dma source(%dma_start3A_134 : memref<201x4096xf32, #tpu.memory_space<hbm>>) target(%dma_start3A_130 : memref<8x4096xf32, #tpu.memory_space<vmem>>) offsets(%dma_start3A_131 : memref<8xi32, #tpu.memory_space<vmem>>) semaphore(%arg7 : memref<!tpu.dma_semaphore, #tpu.memory_space<semaphore_mem>>)
      } else {
      }
    }
    %scan3A_16 = arith.constant 32 : i32
    %add3A_17 = arith.constant 496 : i32
    %add3A_18 = arith.addi %mul3A_2, %add3A_17 : i32
    %dma_wait3A = arith.constant 0 : i32
    %dma_wait3A_19 = arith.constant 0 : i32
    %dma_wait3A_20 = arith.constant 0 : i32
    %dma_wait3A_21 = tpu.memref_slice %arg6[%dma_wait3A, %dma_wait3A_19, %dma_wait3A_20] : memref<2x8x4096xf32, #tpu.memory_space<vmem>> -> memref<1x8x4096xf32, #tpu.memory_space<vmem>>
    %dma_wait3A_22 = tpu.memref_squeeze %dma_wait3A_21 : memref<1x8x4096xf32, #tpu.memory_space<vmem>> -> memref<8x4096xf32, #tpu.memory_space<vmem>>
    %dma_wait3A_23 = arith.constant 0 : i32
    %dma_wait3A_24 = tpu.memref_slice %arg4[%add3A_18, %dma_wait3A_23] : memref<16384x4096xf32, #tpu.memory_space<hbm>> -> memref<8x4096xf32, #tpu.memory_space<hbm>>
    %dma_wait3A_25 = arith.constant 0 : i32
    %dma_wait3A_26 = tpu.memref_slice %arg4[%add3A_18, %dma_wait3A_25] : memref<16384x4096xf32, #tpu.memory_space<hbm>> -> memref<8x4096xf32, #tpu.memory_space<hbm>>
    %dma_wait3A_27 = arith.constant 0 : i32
    %dma_wait3A_28 = arith.constant 0 : i32
    %dma_wait3A_29 = tpu.memref_slice %arg6[%dma_wait3A, %dma_wait3A_27, %dma_wait3A_28] : memref<2x8x4096xf32, #tpu.memory_space<vmem>> -> memref<1x8x4096xf32, #tpu.memory_space<vmem>>
    %dma_wait3A_30 = tpu.memref_squeeze %dma_wait3A_29 : memref<1x8x4096xf32, #tpu.memory_space<vmem>> -> memref<8x4096xf32, #tpu.memory_space<vmem>>
    tpu.wait_dma2 semaphore(%arg9 : memref<!tpu.dma_semaphore, #tpu.memory_space<semaphore_mem>>) src(%dma_wait3A_30 : memref<8x4096xf32, #tpu.memory_space<vmem>>) dst(%dma_wait3A_26 : memref<8x4096xf32, #tpu.memory_space<hbm>>)
    %add3A_31 = arith.constant 504 : i32
    %add3A_32 = arith.addi %mul3A_2, %add3A_31 : i32
    %dma_wait3A_33 = arith.constant 1 : i32
    %dma_wait3A_34 = arith.constant 0 : i32
    %dma_wait3A_35 = arith.constant 0 : i32
    %dma_wait3A_36 = tpu.memref_slice %arg6[%dma_wait3A_33, %dma_wait3A_34, %dma_wait3A_35] : memref<2x8x4096xf32, #tpu.memory_space<vmem>> -> memref<1x8x4096xf32, #tpu.memory_space<vmem>>
    %dma_wait3A_37 = tpu.memref_squeeze %dma_wait3A_36 : memref<1x8x4096xf32, #tpu.memory_space<vmem>> -> memref<8x4096xf32, #tpu.memory_space<vmem>>
    %dma_wait3A_38 = arith.constant 0 : i32
    %dma_wait3A_39 = tpu.memref_slice %arg4[%add3A_32, %dma_wait3A_38] : memref<16384x4096xf32, #tpu.memory_space<hbm>> -> memref<8x4096xf32, #tpu.memory_space<hbm>>
    %dma_wait3A_40 = arith.constant 0 : i32
    %dma_wait3A_41 = tpu.memref_slice %arg4[%add3A_32, %dma_wait3A_40] : memref<16384x4096xf32, #tpu.memory_space<hbm>> -> memref<8x4096xf32, #tpu.memory_space<hbm>>
    %dma_wait3A_42 = arith.constant 0 : i32
    %dma_wait3A_43 = arith.constant 0 : i32
    %dma_wait3A_44 = tpu.memref_slice %arg6[%dma_wait3A_33, %dma_wait3A_42, %dma_wait3A_43] : memref<2x8x4096xf32, #tpu.memory_space<vmem>> -> memref<1x8x4096xf32, #tpu.memory_space<vmem>>
    %dma_wait3A_45 = tpu.memref_squeeze %dma_wait3A_44 : memref<1x8x4096xf32, #tpu.memory_space<vmem>> -> memref<8x4096xf32, #tpu.memory_space<vmem>>
    tpu.wait_dma2 semaphore(%arg10 : memref<!tpu.dma_semaphore, #tpu.memory_space<semaphore_mem>>) src(%dma_wait3A_45 : memref<8x4096xf32, #tpu.memory_space<vmem>>) dst(%dma_wait3A_41 : memref<8x4096xf32, #tpu.memory_space<hbm>>)
    return
  }
}

</mosaic_0001>

<sc_bundles>
// kernel: kernel.3.cloned.1.call-start
scs
__scs_entry_jumppad:
0x0: {  	(pc) =	sbr.rel $0x88, $3  }
0x1: {  	(tag) =	ssettag $0x0;
	lr =	simm.s32 $0x1  }
0x2: {  	[smem:$0x3F9F] =	sst lr;
	_ =	strace $0xD0000000  }
0x3: {  	_ = 	snop  }
0x4: {  	_ = 	snop  }
0x5: {  	_ = 	snop  }
0x6: {  	_ = 	snop  }
0x7: {  	_ = 	snop  }
__scs_overlays_trampoline_lowered:
0x8: {  	[smem:$0x3FAE] =	sst s0  }
0x9: {  	[smem:$0x3FAF] =	sst s1  }
0xa: {  	[smem:$0x3FB0] =	sst s2  }
0xb: {  	[smem:$0x3FB1] =	sst s3  }
0xc: {  	[smem:$0x3FB2] =	sst s4  }
0xd: {  	[smem:$0x3FB3] =	sst s5  }
0xe: {  	[smem:$0x3FB4] =	sst s6  }
0xf: {  	[smem:$0x3FB5] =	sst s7  }
0x10: {  	[smem:$0x3FB6] =	sst s8  }
0x11: {  	[smem:$0x3FB7] =	sst s9;
	s0 =	simm.s32 @!p0 $0x0  }
0x12: {  	s1 =	sld [smem:$0x3F9D];
	s0 =	simm.s32 @p0 $0x1  }
0x13: {  	[smem:$0x3FB8] =	sst s0;
	s0 =	simm.s32 @!p1 $0x0  }
0x14: {  	s2 =	sld [smem:$0x3F9C];
	s0 =	simm.s32 @p1 $0x1  }
0x15: {  	[smem:$0x3FB9] =	sst s0;
	s0 =	simm.s32 @!p2 $0x0  }
0x16: {  	s3 =	sld [smem:$0x3FDB];
	s0 =	simm.s32 @p2 $0x1  }
0x17: {  	s4 =	simm.s32 $0x1BF5;
	[smem:$0x3FBB] =	sst s0  }
0x18: {  	s0 =	sld [smem:$0x3F9E];
	_ =	swait.ge [sflag:s4], $0x0  }
0x19: {  	s7 =	sld [smem:$0x3F9F]  }
0x1a: {  	s8 =	sadd.s32 $0xFFFFE003, lr  }
0x1b: {  	s9 =	sadd.s32 $0xFFFFFEF7, lr;
	s5 =	simm.s32 $0xFFFFFFFF;
	p2 =	slt.u32 s8, $0xFFFFF086  }
0x1c: {  	p1 =	slt.u32 s9, $0xF7A;
	s5 =	simm.s32 @!p2 $0x0  }
0x1d: {  	s5 =	simm.s32 @p1 $0x1;
	p0 =	seq.s32 s7, s2  }
0x1e: {  	s7 =	smul.u32 @!p0 $0xF7A, s2;
	p2 =	seq.s32 @!p0 s5, $0x0  }
0x1f: {  	s9 =	smul.u32 $0xF7A, s1;
	s8 =	simm.s32 @!p0 $0x1BF5;
	p2 =	por !p2, p0  }
0x20: {  	[sflag:s8] =	ssyncset.s32 @!p0 $0xFFFFF086;
	s6 =	sadd.s32 @!p0 s3, s7;
	s7 =	simm.s32 @!p0 $0x108  }
0x21: {  	s3 =	sadd.s32 s3, s9;
	s6 =	sadd.s32 @!p0 $0x88, s6;
	s7 =	simm.s32 @p2 $0x1082  }
0x22: {  	[simem:s7], [sflag:s8] =	dma.local @!p0 [hbm:s6], $0xF7A  }
0x23: {  	s9 =	sor.u32 $0xD0000000, s2;
	s6 =	simm.s32 $0x108;
	_ =	swait.ge @!p0 [sflag:s8], $0x0  }
0x24: {  	s3 =	sadd.s32 $0x88, s3;
	s6 =	simm.s32 @!p1 $0x1082;
	[sflag:s4] =	ssyncset.s32 $0xFFFFF086  }
0x25: {  	[simem:s6], [sflag:s4] =	dma.local [hbm:s3], $0xF7A  }
0x26: {  	[smem:$0x3F9F] =	sst s1;
	(tag) =	ssettag s2;
	_ =	strace s9  }
0x27: {  	s1 =	sld [smem:$0x3FAF]  }
0x28: {  	s2 =	sld [smem:$0x3FB0]  }
0x29: {  	s4 =	sld [smem:$0x3FB2]  }
0x2a: {  	p0 =	seq.s32 s5, $0x0;
	s5 =	sld [smem:$0x3FB3]  }
0x2b: {  	s6 =	sld [smem:$0x3FB4]  }
0x2c: {  	s7 =	sld [smem:$0x3FB5]  }
0x2d: {  	s3 =	simm.s32 $0x108;
	s8 =	sld [smem:$0x3FB6]  }
0x2e: {  	s3 =	simm.s32 @!p0 $0x1082;
	s9 =	sld [smem:$0x3FB7]  }
0x2f: {  	lr =	sadd.s32 s0, s3;
	s0 =	sld [smem:$0x3FAE]  }
0x30: {  	s3 =	sld [smem:$0x3FB1]  }
0x31: {  	[smem:$0x3FBA] =	sst s10  }
0x32: {  	s10 =	sld [smem:$0x3FB8];
	_ =	sdelay $0x3  }
0x33: {  	p0 =	seq.s32 s10, $0x1;
	s10 =	sld [smem:$0x3FBA];
	_ =	sdelay $0x3  }
0x34: {  	[smem:$0x3FBA] =	sst s10  }
0x35: {  	s10 =	sld [smem:$0x3FB9];
	_ =	sdelay $0x3  }
0x36: {  	p1 =	seq.s32 s10, $0x1;
	s10 =	sld [smem:$0x3FBA];
	_ =	sdelay $0x3  }
0x37: {  	[smem:$0x3FBA] =	sst s10  }
0x38: {  	s10 =	sld [smem:$0x3FBB]  }
0x39: {  	_ = 	snop;
	(pc) =	sbr.ind lr, $3  }
0x3a: {  	_ = 	snop  }
0x3b: {  	_ = 	snop  }
0x3c: {  	p2 =	seq.s32 s10, $0x1;
	s10 =	sld [smem:$0x3FBA]  }
0x3d: {  	_ =	shalt  }
0x3e: {  	_ =	shalt  }
0x3f: {  	_ =	shalt  }
0x40: {  	_ =	shalt  }
0x41: {  	_ =	shalt  }
0x42: {  	_ =	shalt  }
0x43: {  	_ =	shalt  }
0x44: {  	_ =	shalt  }
0x45: {  	_ =	shalt  }
0x46: {  	_ =	shalt  }
0x47: {  	_ =	shalt  }
0x48: {  	_ =	shalt  }
0x49: {  	_ =	shalt  }
0x4a: {  	_ =	shalt  }
0x4b: {  	_ =	shalt  }
0x4c: {  	_ =	shalt  }
0x4d: {  	_ =	shalt  }
0x4e: {  	_ =	shalt  }
0x4f: {  	_ =	shalt  }
0x50: {  	_ =	shalt  }
0x51: {  	_ =	shalt  }
0x52: {  	_ =	shalt  }
0x53: {  	_ =	shalt  }
0x54: {  	_ =	shalt  }
0x55: {  	_ =	shalt  }
0x56: {  	_ =	shalt  }
0x57: {  	_ =	shalt  }
0x58: {  	_ =	shalt  }
0x59: {  	_ =	shalt  }
0x5a: {  	_ =	shalt  }
0x5b: {  	_ =	shalt  }
0x5c: {  	_ =	shalt  }
0x5d: {  	_ =	shalt  }
0x5e: {  	_ =	shalt  }
0x5f: {  	_ =	shalt  }
0x60: {  	_ =	shalt  }
0x61: {  	_ =	shalt  }
0x62: {  	_ =	shalt  }
0x63: {  	_ =	shalt  }
0x64: {  	_ =	shalt  }
0x65: {  	_ =	shalt  }
0x66: {  	_ =	shalt  }
0x67: {  	_ =	shalt  }
0x68: {  	_ =	shalt  }
0x69: {  	_ =	shalt  }
0x6a: {  	_ =	shalt  }
0x6b: {  	_ =	shalt  }
0x6c: {  	_ =	shalt  }
0x6d: {  	_ =	shalt  }
0x6e: {  	_ =	shalt  }
0x6f: {  	_ =	shalt  }
0x70: {  	_ =	shalt  }
0x71: {  	_ =	shalt  }
0x72: {  	_ =	shalt  }
0x73: {  	_ =	shalt  }
0x74: {  	_ =	shalt  }
0x75: {  	_ =	shalt  }
0x76: {  	_ =	shalt  }
0x77: {  	_ =	shalt  }
0x78: {  	_ =	shalt  }
0x79: {  	_ =	shalt  }
0x7a: {  	_ =	shalt  }
0x7b: {  	_ =	shalt  }
0x7c: {  	_ =	shalt  }
0x7d: {  	_ =	shalt  }
0x7e: {  	_ =	shalt  }
0x7f: {  	_ =	shalt  }
0x80: {  	_ =	shalt  }
0x81: {  	_ =	shalt  }
0x82: {  	_ =	shalt  }
0x83: {  	_ =	shalt  }
0x84: {  	_ =	shalt  }
0x85: {  	_ =	shalt  }
0x86: {  	_ =	shalt  }
0x87: {  	_ =	shalt  }
.Lfunc_end0:
.L_simem_size_0:
called_computation_lowered:
.L_overlay_start_0:
0x88: {  	s2 =	sld [smem:$0x3FD9]  }
0x89: {  	s3 =	sld [smem:$0x3FFE];
	_ =	sdelay $0x1  }
0x8a: {  	s1 =	srdreg.scid  }
0x8b: {  	s0 =	sand.u32 $0x1, s1  }
0x8c: {  	s17 =	sshll.u32 s0, $0xA;
	s2 =	sadd.s32 s3, s2  }
0x8d: {  	s2 =	sadd.s32 s2, s17  }
0x8e: {  	[smem:$0x3FC6] =	sst s2  }
0x8f: {  	_ = 	snop  }
0x90: {  	s2 =	sld [smem:$0x3FC9]  }
0x91: {  	s18 =	sld [smem:$0x3FD0];
	(tm) =	ssettm $0x1  }
0x92: {  	s4 =	sld [smem:$0x3FFB];
	_ =	sdelay $0x3  }
0x93: {  	_ =	strace s4  }
0x94: {  	s4 =	sld [smem:$0x3FFC];
	_ =	sdelay $0x3  }
0x95: {  	_ =	strace s4  }
0x96: {  	s4 =	sld [smem:$0x3FFD];
	_ =	sdelay $0x3  }
0x97: {  	_ =	strace s4  }
0x98: {  	_ =	strace $0x8FFFFFFF  }
0x99: {  	s19 =	sld [smem:$0x3FDB];
	_ =	sdelay $0x1  }
0x9a: {  	s5 =	simm.s32 $_scs_section_size  }
0x9b: {  	s6 =	simm.s32 $_size__tile_overlayer_lowered;
	s7 =	simm.s32 $_tile_overlayer_lowered  }
0x9c: {  	s22 =	simm.s32 $0x1BFF;
	s21 =	sshll.u32 s7, $0x1;
	s4 =	sadd.s32 s5, s19  }
0x9d: {  	s8 =	simm.s32 $0x0;
	s20 =	sshll.u32 s6, $0x1;
	s6 =	sadd.s32 s21, s4  }
0x9e: {  	[timem:s8], [sflag:s22] =	dma.local [hbm:s6], s20  }
0x9f: {  	_ =	swait.ge [sflag:s22], s20  }
0xa0: {  	s5 =	ssub.s32 $0x0, s20;
	[sflag:s22] =	ssyncset.done $0x0  }
0xa1: {  	[sflag:s22] =	ssyncadd.s32 s5;
	_ =	sdelay $0x1  }
0xa2: {  	s23 =	simm.s32 $0x1B8B  }
0xa3: {  	_ =	swait.ge [sflag:s23], $0x1  }
0xa4: {  	[sflag:s23] =	ssyncset.done $0x0  }
0xa5: {  	s25 =	simm.s32 $0x1B8E;
	s24 =	sld [smem:$0x3FFE];
	[sflag:s23] =	ssyncadd.s32 $0xFFFFFFFF  }
0xa6: {  	s26 =	simm.s32 $execute0_lowered;
	[smem:$0x3FD2] =	sst s25  }
0xa7: {  	s6 =	sshll.u32 s26, $0x1;
	_ =	strace $0x80000046;
	[dreg:$0x1] =	wrdreg $0xFFFFFFFF  }
0xa8: {  	s28 =	simm.s32 $_size_execute0_lowered;
	s4 =	sadd.s32 s4, s6;
	[dreg:$0x0] =	wrdreg $0x0  }
0xa9: {  	s6 =	sshll.u32 s28, $0x1;
	[dreg:$0x2] =	wrdreg s4  }
0xaa: {  	[dreg:$0x3] =	wrdreg s6  }
0xab: {  	[dreg:$0x4] =	wrdreg $0xC0  }
0xac: {  	_ =	task [dreg:s8], $0x5FFFF  }
0xad: {  	[dreg:$0x1] =	wrdreg $0xFFFFFFFF  }
0xae: {  	[dreg:$0x0] =	wrdreg $0x60  }
0xaf: {  	[dreg:$0x2] =	wrdreg s2  }
0xb0: {  	[dreg:$0x3] =	wrdreg s24  }
0xb1: {  	[dreg:$0x4] =	wrdreg s18  }
0xb2: {  	[dreg:$0x5] =	wrdreg $0x9  }
0xb3: {  	_ =	task.clear_ibuf [dreg:s8], $0x6FFFF;
	_ =	strace $0x90000046  }
0xb4: {  	s29 =	simm.s32 $0x9;
	_ =	strace $0x80000048  }
0xb5: {  	_ =	swait.ge [sflag:s29], $0x1  }
0xb6: {  	[sflag:s29] =	ssyncadd.s32 $0xFFFFFFFF  }
0xb7: {  	_ =	strace $0x90000048  }
0xb8: {  	_ =	sfence  }
0xb9: {  	s30 =	sld [smem:$0x0];
	_ =	sdelay $0x2  }
0xba: {  	s31 =	sshll.u32 s1, $0xD;
	s1 =	sshrl.u32 s1, $0x2  }
0xbb: {  	s3 =	sand.u32 $0x4000, s31;
	s1 =	sadd.s32 s1, s30  }
0xbc: {  	s0 =	sor.u32 s3, s0;
	s1 =	sshll.u32 s1, $0x11  }
0xbd: {  	s0 =	sor.u32 s1, s0  }
0xbe: {  	s0 =	sadd.s32 $0x8F2B, s0  }
0xbf: {  	[sflag:s0] =	ssyncadd.remote.s32 $0x1  }
0xc0: {  	_ =	sfence.sel $0xFFFF  }
0xc1: {  	[dreg:$0x0] =	wrdreg $0xFFFFFFFF;
	(pc) =	sbr.abs _section_cstart, $3  }
0xc2: {  	[dreg:$0x1] =	wrdreg $0xFFFFFFFF  }
0xc3: {  	_ =	task.clear_ibuf [dreg:s8], $0x2FFFF;
	_ =	strace $0x9FFFFFFF  }
0xc4: {  	(tm) =	ssettm $0x7FFFFFFF  }
0xc5: {  	_ =	shalt  }
tec
execute0_lowered:
.L_overlay_start_1:
0x0: {  	(tag) =	ssettag $0x1  }
0x1: {  	s0 =	rddreg [dreg:$0x0]  }
0x2: {  	s1 =	rddreg [dreg:$0x1]  }
0x3: {  	s4 =	rddreg [dreg:$0x2]  }
0x4: {  	s3 =	srdreg.scid;
	s2 =	simm.s32 $0x0;
	s23 =	stileid.u32  }
0x5: {  	s30 =	simm.s32 $0x1;
	s31 =	simm.s32 $0x8200;
	s28 =	simm.s32 $0x3  }
0x6: {  	s29 =	simm.s32 $0x0;
	s20 =	sand.u32 $0x1, s3;
	[smem:$0x7FF] =	sst s2  }
0x7: {  	s25 =	sshll.u32 s23, $0xA;
	s3 =	sadd.s32 $0x400, s1;
	s8 =	sadd.s32 $0x800, s1  }
0x8: {  	s9 =	sadd.s32 $0x900, s1;
	s10 =	sadd.s32 $0xA00, s1;
	s11 =	sadd.s32 $0xB00, s1  }
0x9: {  	s12 =	sadd.s32 $0xC00, s1;
	s13 =	sadd.s32 $0xD00, s1;
	s14 =	sadd.s32 $0xE00, s1  }
0xa: {  	s15 =	sadd.s32 $0xF00, s1;
	s16 =	sadd.s32 $0x1000, s1;
	s17 =	sadd.s32 $0x1100, s1  }
0xb: {  	s18 =	sadd.s32 $0x1200, s1;
	s19 =	sadd.s32 $0x1300, s1;
	s5 =	sshll.u32 s20, $0x9  }
0xc: {  	_ =	strace $0x80000047;
	s6 =	ssub.s32 $0x2, s20;
	s21 =	sor.u32 s5, s25  }
0xd: {  	s26 =	sshrl.u32 s6, $0x1;
	s5 =	sadd.s32 $0x500, s1;
	s7 =	sshrl.u32 s21, $0x3  }
0xe: {  	s22 =	ssub.s32 s6, s26;
	s6 =	sadd.s32 $0x600, s1;
	s24 =	sshll.u32 s21, $0x9  }
0xf: {  	s0 =	sadd.s32 s0, s7;
	s7 =	sadd.s32 $0x700, s1;
	s1 =	sshll.u32 s23, $0x13  }
.Ltmp0:
0x10: {  	s23 =	sshll.u32 s20, $0x12;
	s25 =	smax.u32 s22, $0x1;
	(pc) =	sbr.rel .LBB2_1-.Ltmp0, $4  }
0x11: {  	s26 =	sadd.s32 s24, s4;
	s24 =	simm.s32 $0x200;
	[dreg:$0x4] =	wrdreg s0  }
0x12: {  	v0 =	vlaneseq.u32;
	s20 =	simm.s32 $0xEA00;
	s0 =	sadd.s32 s1, s4;
	[dreg:$0x5] =	wrdreg s25  }
0x13: {  	v1 =	vshrl.u32 v0, $0x3;
	s22 =	sadd.s32 $0x1000, s26;
	s4 =	simm.s32 $0xE200;
	s25 =	simm.s32 $0xFA00  }
0x14: {  	vm0 =	vmmov $0xffff;
	v0 =	vand.u32 $0x7, v0;
	v1 =	vmul.u32 $0x8, v1;
	s26 =	simm.s32 $0x2;
	s21 =	sadd.s32 s23, s0;
	s23 =	simm.s32 $0xF200  }
.LBB2_4:
0x15: {  	s1 =	simm.s32 $0x4  }
0x16: {  	_ =	swait.ge [sflag:s1], $0x8000  }
0x17: {  	s29 =	rddreg [dreg:$0x6]  }
0x18: {  	s0 =	rddreg [dreg:$0x5];
	s29 =	sadd.s32 $0x1, s29  }
0x19: {  	p0 =	sne.s32 s29, s0  }
.Ltmp1:
0x1a: {  	_ = 	snop;
	(pc) =	sbr.rel @!p0 .LBB2_5-.Ltmp1, $3  }
0x1b: {  	_ =	sdelay $0x1  }
0x1c: {  	[sflag:s1] =	ssyncset.done $0x0  }
0x1d: {  	[sflag:s1] =	ssyncadd.s32 $0xFFFF8000  }
.LBB2_1:
0x1e: {  	[dreg:$0x6] =	wrdreg s29  }
0x1f: {  	s0 =	rddreg [dreg:$0x4];
	s1 =	simm.s32 $0x5  }
0x20: {  	[tilespmem:s2], [sflag:$0x5] =	stream.linear.gather [hbm4b:s0+s2], $0x200, $0x38;
	[tilespmem:$0x10200] =	vst v63  }
0x21: {  	_ =	swait.ge [sflag:s1], $0x200  }
0x22: {  	[sflag:s1] =	ssyncset.done $0x0  }
0x23: {  	[sflag:s1] =	ssyncadd.s32 $0xFFFFFE00  }
0x24: {  	v2 =	vld.msk [tilespmem:$0x0], $0xff;
	_ =	sdelay $0x4  }
0x25: {  	v3 =	vshll.u32 v2, $0x5  }
0x26: {  	v2 =	vand.u32 $0x7, v2;
	v3 =	vand.u32 $0xFFFFFF00, v3  }
0x27: {  	v2 =	vor.u32 v2, v3  }
0x28: {  	v2 =	vperm.xlane v2, v0;
	_ =	sdelay $0x1  }
0x29: {  	v2 =	vadd.s32 v1, v2;
	_ =	sdelay $0x4  }
0x2a: {  	[tilespmem:s24], [sflag:$0x1] =	stream.indirect_vreg.gather [hbm4b:s3+s2], $0x80, v2, vm0, $0xb8;
	[tilespmem:$0x10200] =	vst v63  }
0x2b: {  	s1 =	simm.s32 $0xA00  }
0x2c: {  	[tilespmem:s1], [sflag:$0x1] =	stream.indirect_vreg.gather [hbm4b:s5+s2], $0x80, v2, vm0, $0xb8;
	[tilespmem:$0x10200] =	vst v63  }
0x2d: {  	s1 =	simm.s32 $0x1200  }
0x2e: {  	[tilespmem:s1], [sflag:$0x1] =	stream.indirect_vreg.gather [hbm4b:s6+s2], $0x80, v2, vm0, $0xb8;
	[tilespmem:$0x10200] =	vst v63  }
0x2f: {  	s1 =	simm.s32 $0x1A00  }
0x30: {  	[tilespmem:s1], [sflag:$0x1] =	stream.indirect_vreg.gather [hbm4b:s7+s2], $0x80, v2, vm0, $0xb8;
	[tilespmem:$0x10200] =	vst v63  }
0x31: {  	s1 =	simm.s32 $0x2200  }
0x32: {  	[tilespmem:s1], [sflag:$0x1] =	stream.indirect_vreg.gather [hbm4b:s8+s2], $0x80, v2, vm0, $0xb8;
	[tilespmem:$0x10200] =	vst v63  }
0x33: {  	s1 =	simm.s32 $0x2A00  }
0x34: {  	[tilespmem:s1], [sflag:$0x1] =	stream.indirect_vreg.gather [hbm4b:s9+s2], $0x80, v2, vm0, $0xb8;
	[tilespmem:$0x10200] =	vst v63  }
0x35: {  	s1 =	simm.s32 $0x3200  }
0x36: {  	[tilespmem:s1], [sflag:$0x1] =	stream.indirect_vreg.gather [hbm4b:s10+s2], $0x80, v2, vm0, $0xb8;
	[tilespmem:$0x10200] =	vst v63  }
0x37: {  	s1 =	simm.s32 $0x3A00  }
0x38: {  	[tilespmem:s1], [sflag:$0x1] =	stream.indirect_vreg.gather [hbm4b:s11+s2], $0x80, v2, vm0, $0xb8;
	[tilespmem:$0x10200] =	vst v63  }
0x39: {  	s1 =	simm.s32 $0x4200  }
0x3a: {  	[tilespmem:s1], [sflag:$0x1] =	stream.indirect_vreg.gather [hbm4b:s12+s2], $0x80, v2, vm0, $0xb8;
	[tilespmem:$0x10200] =	vst v63  }
0x3b: {  	s1 =	simm.s32 $0x4A00  }
0x3c: {  	[tilespmem:s1], [sflag:$0x1] =	stream.indirect_vreg.gather [hbm4b:s13+s2], $0x80, v2, vm0, $0xb8;
	[tilespmem:$0x10200] =	vst v63  }
0x3d: {  	s1 =	simm.s32 $0x5200  }
0x3e: {  	[tilespmem:s1], [sflag:$0x1] =	stream.indirect_vreg.gather [hbm4b:s14+s2], $0x80, v2, vm0, $0xb8;
	[tilespmem:$0x10200] =	vst v63  }
0x3f: {  	s1 =	simm.s32 $0x5A00  }
0x40: {  	[tilespmem:s1], [sflag:$0x1] =	stream.indirect_vreg.gather [hbm4b:s15+s2], $0x80, v2, vm0, $0xb8;
	[tilespmem:$0x10200] =	vst v63  }
0x41: {  	s1 =	simm.s32 $0x6200  }
0x42: {  	[tilespmem:s1], [sflag:$0x1] =	stream.indirect_vreg.gather [hbm4b:s16+s2], $0x80, v2, vm0, $0xb8;
	[tilespmem:$0x10200] =	vst v63  }
0x43: {  	s1 =	simm.s32 $0x6A00  }
0x44: {  	[tilespmem:s1], [sflag:$0x1] =	stream.indirect_vreg.gather [hbm4b:s17+s2], $0x80, v2, vm0, $0xb8;
	[tilespmem:$0x10200] =	vst v63  }
0x45: {  	s1 =	simm.s32 $0x7200  }
0x46: {  	[tilespmem:s1], [sflag:$0x1] =	stream.indirect_vreg.gather [hbm4b:s18+s2], $0x80, v2, vm0, $0xb8;
	[tilespmem:$0x10200] =	vst v63  }
0x47: {  	s29 =	simm.s32 $0x10;
	s0 =	simm.s32 $0x0;
	s1 =	simm.s32 $0x7A00  }
0x48: {  	[tilespmem:s1], [sflag:$0x1] =	stream.indirect_vreg.gather [hbm4b:s19+s2], $0x80, v2, vm0, $0xb8;
	[tilespmem:$0x10200] =	vst v63  }
.LBB2_2:
0x49: {  	_ =	swait.ge [sflag:s30], $0x8000  }
0x4a: {  	[sflag:s30] =	ssyncset.done $0x0  }
0x4b: {  	s1 =	sadd.s32 s0, s21;
	p0 =	seq.s32 s0, $0x0;
	[sflag:s30] =	ssyncadd.s32 $0xFFFF8000  }
0x4c: {  	[hbm4b:s1+s2] =	stream.linear.scatter [tilespmem:s24], [sflag:$0x3], $0x8000, $0x38;
	[tilespmem:$0x10200] =	vst v63  }
0x4d: {  	s1 =	simm.s32 @!p0 $0x4  }
0x4e: {  	_ =	swait.ge @!p0 [sflag:s1], $0x8000  }
0x4f: {  	[sflag:s1] =	ssyncset.done @!p0 $0x0  }
0x50: {  	[sflag:s1] =	ssyncadd.s32 @!p0 $0xFFFF8000  }
0x51: {  	v2 =	vld.msk [tilespmem:s29+$0xFFFFFFF8], $0xff;
	_ =	sdelay $0x4  }
0x52: {  	v3 =	vshll.u32 v2, $0x5  }
0x53: {  	v2 =	vand.u32 $0x7, v2;
	v3 =	vand.u32 $0xFFFFFF00, v3  }
0x54: {  	v2 =	vor.u32 v2, v3  }
0x55: {  	v2 =	vperm.xlane v2, v0;
	_ =	sdelay $0x1  }
0x56: {  	v2 =	vadd.s32 v1, v2;
	_ =	sdelay $0x4  }
0x57: {  	[tilespmem:s31], [sflag:$0x2] =	stream.indirect_vreg.gather [hbm4b:s3+s2], $0x80, v2, vm0, $0xb8;
	[tilespmem:$0x10200] =	vst v63  }
0x58: {  	s1 =	simm.s32 $0x8A00  }
0x59: {  	[tilespmem:s1], [sflag:$0x2] =	stream.indirect_vreg.gather [hbm4b:s5+s2], $0x80, v2, vm0, $0xb8;
	[tilespmem:$0x10200] =	vst v63  }
0x5a: {  	s1 =	simm.s32 $0x9200  }
0x5b: {  	[tilespmem:s1], [sflag:$0x2] =	stream.indirect_vreg.gather [hbm4b:s6+s2], $0x80, v2, vm0, $0xb8;
	[tilespmem:$0x10200] =	vst v63  }
0x5c: {  	s1 =	simm.s32 $0x9A00  }
0x5d: {  	[tilespmem:s1], [sflag:$0x2] =	stream.indirect_vreg.gather [hbm4b:s7+s2], $0x80, v2, vm0, $0xb8;
	[tilespmem:$0x10200] =	vst v63  }
0x5e: {  	s1 =	simm.s32 $0xA200  }
0x5f: {  	[tilespmem:s1], [sflag:$0x2] =	stream.indirect_vreg.gather [hbm4b:s8+s2], $0x80, v2, vm0, $0xb8;
	[tilespmem:$0x10200] =	vst v63  }
0x60: {  	s1 =	simm.s32 $0xAA00  }
0x61: {  	[tilespmem:s1], [sflag:$0x2] =	stream.indirect_vreg.gather [hbm4b:s9+s2], $0x80, v2, vm0, $0xb8;
	[tilespmem:$0x10200] =	vst v63  }
0x62: {  	s1 =	simm.s32 $0xB200  }
0x63: {  	[tilespmem:s1], [sflag:$0x2] =	stream.indirect_vreg.gather [hbm4b:s10+s2], $0x80, v2, vm0, $0xb8;
	[tilespmem:$0x10200] =	vst v63  }
0x64: {  	s1 =	simm.s32 $0xBA00  }
0x65: {  	[tilespmem:s1], [sflag:$0x2] =	stream.indirect_vreg.gather [hbm4b:s11+s2], $0x80, v2, vm0, $0xb8;
	[tilespmem:$0x10200] =	vst v63  }
0x66: {  	s1 =	simm.s32 $0xC200  }
0x67: {  	[tilespmem:s1], [sflag:$0x2] =	stream.indirect_vreg.gather [hbm4b:s12+s2], $0x80, v2, vm0, $0xb8;
	[tilespmem:$0x10200] =	vst v63  }
0x68: {  	s1 =	simm.s32 $0xCA00  }
0x69: {  	[tilespmem:s1], [sflag:$0x2] =	stream.indirect_vreg.gather [hbm4b:s13+s2], $0x80, v2, vm0, $0xb8;
	[tilespmem:$0x10200] =	vst v63  }
0x6a: {  	s1 =	simm.s32 $0xD200  }
0x6b: {  	[tilespmem:s1], [sflag:$0x2] =	stream.indirect_vreg.gather [hbm4b:s14+s2], $0x80, v2, vm0, $0xb8;
	[tilespmem:$0x10200] =	vst v63  }
0x6c: {  	s1 =	simm.s32 $0xDA00  }
0x6d: {  	[tilespmem:s1], [sflag:$0x2] =	stream.indirect_vreg.gather [hbm4b:s15+s2], $0x80, v2, vm0, $0xb8;
	[tilespmem:$0x10200] =	vst v63  }
0x6e: {  	_ = 	snop  }
0x6f: {  	[tilespmem:s4], [sflag:$0x2] =	stream.indirect_vreg.gather [hbm4b:s16+s2], $0x80, v2, vm0, $0xb8;
	[tilespmem:$0x10200] =	vst v63  }
0x70: {  	_ = 	snop  }
0x71: {  	[tilespmem:s20], [sflag:$0x2] =	stream.indirect_vreg.gather [hbm4b:s17+s2], $0x80, v2, vm0, $0xb8;
	[tilespmem:$0x10200] =	vst v63  }
0x72: {  	_ = 	snop  }
0x73: {  	[tilespmem:s23], [sflag:$0x2] =	stream.indirect_vreg.gather [hbm4b:s18+s2], $0x80, v2, vm0, $0xb8;
	[tilespmem:$0x10200] =	vst v63  }
0x74: {  	_ = 	snop  }
0x75: {  	[tilespmem:s25], [sflag:$0x2] =	stream.indirect_vreg.gather [hbm4b:s19+s2], $0x80, v2, vm0, $0xb8;
	[tilespmem:$0x10200] =	vst v63  }
0x76: {  	_ =	swait.ge [sflag:s26], $0x8000  }
0x77: {  	p0 =	seq.s32 s0, $0x3E000;
	[sflag:s26] =	ssyncset.done $0x0  }
.Ltmp2:
0x78: {  	s1 =	sadd.s32 s0, s22;
	[sflag:s26] =	ssyncadd.s32 $0xFFFF8000;
	(pc) =	sbr.rel @p0 .LBB2_4-.Ltmp2, $4  }
0x79: {  	[hbm4b:s1+s2] =	stream.linear.scatter [tilespmem:s31], [sflag:$0x4], $0x8000, $0x38;
	[tilespmem:$0x10200] =	vst v63  }
0x7a: {  	_ =	swait.ge [sflag:s28], $0x8000  }
0x7b: {  	[sflag:s28] =	ssyncset.done $0x0  }
0x7c: {  	[sflag:s28] =	ssyncadd.s32 $0xFFFF8000  }
0x7d: {  	v2 =	vld.msk [tilespmem:s29+$0x0], $0xff;
	_ =	sdelay $0x4  }
0x7e: {  	v3 =	vshll.u32 v2, $0x5  }
0x7f: {  	v2 =	vand.u32 $0x7, v2;
	v3 =	vand.u32 $0xFFFFFF00, v3  }
0x80: {  	v2 =	vor.u32 v2, v3  }
0x81: {  	v2 =	vperm.xlane v2, v0;
	_ =	sdelay $0x1  }
0x82: {  	v2 =	vadd.s32 v1, v2;
	_ =	sdelay $0x4  }
0x83: {  	[tilespmem:s24], [sflag:$0x1] =	stream.indirect_vreg.gather [hbm4b:s3+s2], $0x80, v2, vm0, $0xb8;
	[tilespmem:$0x10200] =	vst v63  }
0x84: {  	s1 =	simm.s32 $0xA00  }
0x85: {  	[tilespmem:s1], [sflag:$0x1] =	stream.indirect_vreg.gather [hbm4b:s5+s2], $0x80, v2, vm0, $0xb8;
	[tilespmem:$0x10200] =	vst v63  }
0x86: {  	s1 =	simm.s32 $0x1200  }
0x87: {  	[tilespmem:s1], [sflag:$0x1] =	stream.indirect_vreg.gather [hbm4b:s6+s2], $0x80, v2, vm0, $0xb8;
	[tilespmem:$0x10200] =	vst v63  }
0x88: {  	s1 =	simm.s32 $0x1A00  }
0x89: {  	[tilespmem:s1], [sflag:$0x1] =	stream.indirect_vreg.gather [hbm4b:s7+s2], $0x80, v2, vm0, $0xb8;
	[tilespmem:$0x10200] =	vst v63  }
0x8a: {  	s1 =	simm.s32 $0x2200  }
0x8b: {  	[tilespmem:s1], [sflag:$0x1] =	stream.indirect_vreg.gather [hbm4b:s8+s2], $0x80, v2, vm0, $0xb8;
	[tilespmem:$0x10200] =	vst v63  }
0x8c: {  	s1 =	simm.s32 $0x2A00  }
0x8d: {  	[tilespmem:s1], [sflag:$0x1] =	stream.indirect_vreg.gather [hbm4b:s9+s2], $0x80, v2, vm0, $0xb8;
	[tilespmem:$0x10200] =	vst v63  }
0x8e: {  	s1 =	simm.s32 $0x3200  }
0x8f: {  	[tilespmem:s1], [sflag:$0x1] =	stream.indirect_vreg.gather [hbm4b:s10+s2], $0x80, v2, vm0, $0xb8;
	[tilespmem:$0x10200] =	vst v63  }
0x90: {  	s1 =	simm.s32 $0x3A00  }
0x91: {  	[tilespmem:s1], [sflag:$0x1] =	stream.indirect_vreg.gather [hbm4b:s11+s2], $0x80, v2, vm0, $0xb8;
	[tilespmem:$0x10200] =	vst v63  }
0x92: {  	s1 =	simm.s32 $0x4200  }
0x93: {  	[tilespmem:s1], [sflag:$0x1] =	stream.indirect_vreg.gather [hbm4b:s12+s2], $0x80, v2, vm0, $0xb8;
	[tilespmem:$0x10200] =	vst v63  }
0x94: {  	s1 =	simm.s32 $0x4A00  }
0x95: {  	[tilespmem:s1], [sflag:$0x1] =	stream.indirect_vreg.gather [hbm4b:s13+s2], $0x80, v2, vm0, $0xb8;
	[tilespmem:$0x10200] =	vst v63  }
0x96: {  	s1 =	simm.s32 $0x5200  }
0x97: {  	[tilespmem:s1], [sflag:$0x1] =	stream.indirect_vreg.gather [hbm4b:s14+s2], $0x80, v2, vm0, $0xb8;
	[tilespmem:$0x10200] =	vst v63  }
0x98: {  	s1 =	simm.s32 $0x5A00  }
0x99: {  	[tilespmem:s1], [sflag:$0x1] =	stream.indirect_vreg.gather [hbm4b:s15+s2], $0x80, v2, vm0, $0xb8;
	[tilespmem:$0x10200] =	vst v63  }
0x9a: {  	s1 =	simm.s32 $0x6200  }
0x9b: {  	[tilespmem:s1], [sflag:$0x1] =	stream.indirect_vreg.gather [hbm4b:s16+s2], $0x80, v2, vm0, $0xb8;
	[tilespmem:$0x10200] =	vst v63  }
0x9c: {  	s1 =	simm.s32 $0x6A00  }
0x9d: {  	[tilespmem:s1], [sflag:$0x1] =	stream.indirect_vreg.gather [hbm4b:s17+s2], $0x80, v2, vm0, $0xb8;
	[tilespmem:$0x10200] =	vst v63  }
.Ltmp3:
0x9e: {  	_ = 	snop;
	(pc) =	sbr.rel .LBB2_2-.Ltmp3, $4  }
0x9f: {  	s1 =	simm.s32 $0x7200  }
0xa0: {  	[tilespmem:s1], [sflag:$0x1] =	stream.indirect_vreg.gather [hbm4b:s18+s2], $0x80, v2, vm0, $0xb8;
	[tilespmem:$0x10200] =	vst v63  }
0xa1: {  	s0 =	sadd.s32 $0x2000, s0;
	s29 =	sadd.s32 $0x10, s29;
	s1 =	simm.s32 $0x7A00  }
0xa2: {  	[tilespmem:s1], [sflag:$0x1] =	stream.indirect_vreg.gather [hbm4b:s19+s2], $0x80, v2, vm0, $0xb8;
	[tilespmem:$0x10200] =	vst v63  }
.LBB2_5:
0xa3: {  	_ =	sfence.sel $0x180000  }
0xa4: {  	[bflag:$0x0] =	sbarrier.arrive $0xFFFF  }
0xa5: {  	_ =	strace $0x90000047  }
0xa6: {  	s0 =	stileid.u32;
	[bflag:$0x2] =	sbarrier.arrive $0xFFFF  }
0xa7: {  	p0 =	sne.s32 s0, $0x0;
	s0 =	rddreg [dreg:$0x3]  }
0xa8: {  	s0 =	sadd.s32 @!p0 $0x100000, s0  }
0xa9: {  	[sflag:s0] =	ssyncadd.tile.s32 @!p0 $0x1;
	_ =	shalt  }
.Lfunc_end2:
_tile_overlayer_lowered:
.L_overlay_start_2:
0xaa: {  	(tag) =	ssettag $0x2  }
0xab: {  	s0 =	rddreg [dreg:$0x0];
	s2 =	stileid.u32  }
0xac: {  	s1 =	rddreg [dreg:$0x1];
	p0 =	sne.s32 s2, $0x0  }
0xad: {  	s3 =	rddreg [dreg:$0x2];
	[bflag:$0x3] =	sbarrier.arrive $0xFFFF;
	s2 =	simm.s32 @!p0 $0x1C05  }
0xae: {  	[timem:s3], [sflag:s2] =	dma.local @!p0 [hbm:s0], s1  }
0xaf: {  	s0 =	simm.s32 @!p0 $0x5  }
0xb0: {  	_ =	swait.ge @!p0 [sflag:s0], s1  }
0xb1: {  	s1 =	ssub.s32 @!p0 $0x0, s1;
	[sflag:s0] =	ssyncset.done @!p0 $0x0  }
0xb2: {  	[sflag:s0] =	ssyncadd.s32 @!p0 s1  }
0xb3: {  	[bflag:$0x3] =	sbarrier.arrive $0xFFFF  }
0xb4: {  	_ =	shalt  }

</sc_bundles>
